<compile_context>
chip_gen: v7x
topology: tpu7x:2x2x1
jax: 0.10.2.dev20260603
libtpu: 0.0.44.dev20260713+nightly
codegen_flags: <defaults>
</compile_context>

<pallas_src>
import jax
import jax.numpy as jnp
from jax import lax
from jax.experimental import pallas as pl
from jax.experimental.pallas import tpu as pltpu
from jax.experimental.pallas import tpu_sc as plsc

N = 10000
HID = 64
WID = 128
NACC = 10240
DUMMY = N
NC = 2
NS = 16
NW = NC * NS
CHUNK = 128
NBUF = 2
RPT = NACC // NS

EP = 320000
EL = 160000
PT_P = ((EP // NW) + 4 * CHUNK - 1) // (4 * CHUNK) * (4 * CHUNK)
PT_L = ((EL // NW) + 4 * CHUNK - 1) // (4 * CHUNK) * (4 * CHUNK)
PEP = PT_P * NW
PEL = PT_L * NW
NCH_P = PT_P // CHUNK
NCH_L = PT_L // CHUNK

_SC_MESH = plsc.VectorSubcoreMesh(core_axis_name="c", subcore_axis_name="s")



def _zero_fill(buf, w):
    def fillz(i, _):
        r = i // (w // 16)
        c = (i % (w // 16)) * 16
        buf[r, pl.ds(c, 16)] = jnp.zeros((16,), jnp.float32)
        return 0
    lax.fori_loop(0, CHUNK * (w // 16), fillz, 0)


def _rows_body(nch, nphase, g_hbm, src2_hbm, dst2_hbm, s_out, srcb, dstb,
               rows, acc, *sems):
    gsem = sems[:NBUF]
    ssem = sems[NBUF:]
    cid = lax.axis_index("c")
    sid = lax.axis_index("s")
    wid = sid * NC + cid
    row0 = sid * RPT
    half = nch // nphase

    _zero_fill(rows.at[0], WID)
    for k in range(RPT // CHUNK):
        pltpu.sync_copy(rows.at[0], acc.at[pl.ds(row0 + k * CHUNK, CHUNK)])
    plsc.subcore_barrier()

    for phase in range(nphase):
        base_ch = wid * nch + phase * half
        pltpu.sync_copy(src2_hbm.at[pl.ds(base_ch, half)], srcb)
        pltpu.sync_copy(dst2_hbm.at[pl.ds(base_ch, half)], dstb)

        for b in range(NBUF):
            pltpu.async_copy(g_hbm.at[srcb.at[b]], rows.at[b], gsem[b])

        def step(k, _):
            for b in range(NBUF):
                c = NBUF * k + b
                pltpu.make_async_copy(g_hbm.at[srcb.at[c]], rows.at[b],
                                      gsem[b]).wait()
                pltpu.async_copy(rows.at[b], acc.at[dstb.at[c]], ssem[b],
                                 add=True)

                @pl.when(k < half // NBUF - 1)
                def _():
                    pltpu.make_async_copy(rows.at[b], acc.at[dstb.at[c]],
                                          ssem[b]).wait()
                    pltpu.async_copy(g_hbm.at[srcb.at[c + NBUF]], rows.at[b],
                                     gsem[b])
            return 0
        lax.fori_loop(0, half // NBUF, step, 0)

        for b in range(NBUF):
            c = half - NBUF + b
            pltpu.make_async_copy(rows.at[b], acc.at[dstb.at[c]],
                                  ssem[b]).wait()

    plsc.subcore_barrier()
    pltpu.sync_copy(acc.at[pl.ds(row0, RPT)],
                    s_out.at[cid, pl.ds(row0, RPT)])


def _deg_body(nch, dst2_hbm, s_out, dstb, ones_v, acc, *ssem):
    nsem = len(ssem)
    cid = lax.axis_index("c")
    sid = lax.axis_index("s")
    wid = sid * NC + cid
    row0 = sid * RPT

    _zero_fill(ones_v, WID)
    for k in range(RPT // CHUNK):
        pltpu.sync_copy(ones_v, acc.at[pl.ds(row0 + k * CHUNK, CHUNK)])

    def fillo(i, _):
        c = (i % (WID // 16)) * 16
        ones_v[i // (WID // 16), pl.ds(c, 16)] = jnp.full((16,), 1.0,
                                                          jnp.float32)
        return 0
    lax.fori_loop(0, CHUNK * (WID // 16), fillo, 0)
    plsc.subcore_barrier()

    pltpu.sync_copy(dst2_hbm.at[pl.ds(wid * nch, nch)], dstb)

    for b in range(nsem):
        pltpu.async_copy(ones_v, acc.at[dstb.at[b]], ssem[b], add=True)

    def step(k, _):
        for b in range(nsem):
            c = nsem * k + b
            pltpu.make_async_copy(ones_v, acc.at[dstb.at[c]], ssem[b]).wait()

            @pl.when(k < nch // nsem - 1)
            def _():
                pltpu.async_copy(ones_v, acc.at[dstb.at[c + nsem]], ssem[b],
                                 add=True)
        return 0
    lax.fori_loop(0, nch // nsem, step, 0)

    plsc.subcore_barrier()
    pltpu.sync_copy(acc.at[pl.ds(row0, RPT)],
                    s_out.at[cid, pl.ds(row0, RPT)])


def _make_rows(nch, nphase):
    def body(*a):
        return _rows_body(nch, nphase, *a)
    return pl.kernel(
        body,
        out_type=jax.ShapeDtypeStruct((NC, NACC, WID), jnp.float32),
        mesh=_SC_MESH,
        scratch_types=[
            pltpu.VMEM((nch // nphase, CHUNK), jnp.int32),
            pltpu.VMEM((nch // nphase, CHUNK), jnp.int32),
            pltpu.VMEM((NBUF, CHUNK, WID), jnp.float32),
            pltpu.VMEM_SHARED((NACC, WID), jnp.float32),
        ] + [pltpu.SemaphoreType.DMA] * (2 * NBUF),
    )


def _make_deg(nch):
    def body(*a):
        return _deg_body(nch, *a)
    return pl.kernel(
        body,
        out_type=jax.ShapeDtypeStruct((NC, NACC, WID), jnp.float32),
        mesh=_SC_MESH,
        scratch_types=[
            pltpu.VMEM((nch, CHUNK), jnp.int32),
            pltpu.VMEM((CHUNK, WID), jnp.float32),
            pltpu.VMEM_SHARED((NACC, WID), jnp.float32),
        ] + [pltpu.SemaphoreType.DMA] * 4,
    )


@jax.jit
def _sc_rows_p(g, src2, dst2):
    return _make_rows(NCH_P, 2)(g, src2, dst2)


@jax.jit
def _sc_rows_l(g, src2, dst2):
    return _make_rows(NCH_L, 1)(g, src2, dst2)


@jax.jit
def _sc_deg_p(dst2):
    return _make_deg(NCH_P)(dst2)


@jax.jit
def _sc_deg_l(dst2):
    return _make_deg(NCH_L)(dst2)



BR = 2000


def _dinv_of(degp_blk):
    deg = degp_blk[0, :, 0:1] + degp_blk[1, :, 0:1] + 1.0
    return lax.rsqrt(deg)


def _pad128(v):
    return jnp.concatenate([v, jnp.zeros_like(v)], axis=1)


def _t1_body(x_ref, w_ref, degp_ref, o_ref):
    dinv = _dinv_of(degp_ref[...])
    h = jnp.dot(x_ref[...], w_ref[...], preferred_element_type=jnp.float32)
    o_ref[...] = _pad128(h * dinv)


@jax.jit
def _t1(x, w, degp):
    din = x.shape[1]
    return pl.pallas_call(
        _t1_body,
        grid=(N // BR,),
        in_specs=[
            pl.BlockSpec((BR, din), lambda i: (i, 0)),
            pl.BlockSpec((din, HID), lambda i: (0, 0)),
            pl.BlockSpec((NC, BR, WID), lambda i: (0, i, 0)),
        ],
        out_specs=pl.BlockSpec((BR, WID), lambda i: (i, 0)),
        out_shape=jax.ShapeDtypeStruct((N, WID), jnp.float32),
    )(x, w, degp)


def _layer_z(s_ref, g_ref, degp_ref, b_ref):
    dinv = _dinv_of(degp_ref[...])
    s = s_ref[0, :, 0:HID] + s_ref[1, :, 0:HID] + g_ref[:, 0:HID]
    return jnp.maximum(s * dinv + b_ref[...], 0.0)


def _t2_body(s_ref, g_ref, degp_ref, b_ref, w_ref, o_ref):
    dinv = _dinv_of(degp_ref[...])
    z = _layer_z(s_ref, g_ref[...], degp_ref, b_ref)
    h = jnp.dot(z, w_ref[...], preferred_element_type=jnp.float32)
    o_ref[...] = _pad128(h * dinv)


@jax.jit
def _t2(s, g, degp, b, w):
    return pl.pallas_call(
        _t2_body,
        grid=(N // BR,),
        in_specs=[
            pl.BlockSpec((NC, BR, WID), lambda i: (0, i, 0)),
            pl.BlockSpec((BR, WID), lambda i: (i, 0)),
            pl.BlockSpec((NC, BR, WID), lambda i: (0, i, 0)),
            pl.BlockSpec((1, HID), lambda i: (0, 0)),
            pl.BlockSpec((HID, HID), lambda i: (0, 0)),
        ],
        out_specs=pl.BlockSpec((BR, WID), lambda i: (i, 0)),
        out_shape=jax.ShapeDtypeStruct((N, WID), jnp.float32),
    )(s, g, degp, b, w)


def _t3_body(s_ref, g_ref, degp_ref, b_ref, o_ref):
    z = _layer_z(s_ref, g_ref[...], degp_ref, b_ref)
    part = jnp.sum(z, axis=0, keepdims=True)

    @pl.when(pl.program_id(0) == 0)
    def _():
        o_ref[...] = jnp.zeros_like(o_ref)

    o_ref[...] += part


@jax.jit
def _t3(s, g, degp, b):
    return pl.pallas_call(
        _t3_body,
        grid=(N // BR,),
        in_specs=[
            pl.BlockSpec((NC, BR, WID), lambda i: (0, i, 0)),
            pl.BlockSpec((BR, WID), lambda i: (i, 0)),
            pl.BlockSpec((NC, BR, WID), lambda i: (0, i, 0)),
            pl.BlockSpec((1, HID), lambda i: (0, 0)),
        ],
        out_specs=pl.BlockSpec((1, HID), lambda i: (0, 0)),
        out_shape=jax.ShapeDtypeStruct((1, HID), jnp.float32),
    )(s, g, degp, b)


def _t4_body(ps_ref, ls_ref, w1_ref, b1_ref, w2t_ref, b2_ref, o_ref):
    cat = jnp.concatenate([ps_ref[...], ls_ref[...]], axis=1) * (1.0 / N)
    h = jnp.maximum(
        jnp.dot(cat, w1_ref[...], preferred_element_type=jnp.float32)
        + b1_ref[...], 0.0)
    o_ref[...] = jnp.sum(h * w2t_ref[...], axis=1, keepdims=True) + b2_ref[...]


@jax.jit
def _t4(ps, ls, w1, b1, w2t, b2):
    return pl.pallas_call(
        _t4_body,
        out_shape=jax.ShapeDtypeStruct((1, 1), jnp.float32),
    )(ps, ls, w1, b1, w2t, b2)



def _pad2d(v, pe, e, fill):
    return jnp.concatenate(
        [v, jnp.full((pe - e,), fill, jnp.int32)]).reshape(pe // CHUNK, CHUNK)


@jax.jit
def kernel(pocket_x, pocket_edge_index, ligand_x, ligand_edge_index,
           pW1, pb1, pW2, pb2, lW1, lb1, lW2, lb2, hW1, hb1, hW2, hb2):
    srcp = _pad2d(pocket_edge_index[0].astype(jnp.int32), PEP, EP, 0)
    dstp = _pad2d(pocket_edge_index[1].astype(jnp.int32), PEP, EP, DUMMY)
    srcl = _pad2d(ligand_edge_index[0].astype(jnp.int32), PEL, EL, 0)
    dstl = _pad2d(ligand_edge_index[1].astype(jnp.int32), PEL, EL, DUMMY)

    degp = _sc_deg_p(dstp)
    degl = _sc_deg_l(dstl)

    g1p = _t1(pocket_x, pW1, degp)
    g1l = _t1(ligand_x, lW1, degl)

    s1p = _sc_rows_p(g1p, srcp, dstp)
    s1l = _sc_rows_l(g1l, srcl, dstl)

    g2p = _t2(s1p, g1p, degp, pb1.reshape(1, HID), pW2)
    g2l = _t2(s1l, g1l, degl, lb1.reshape(1, HID), lW2)

    s2p = _sc_rows_p(g2p, srcp, dstp)
    s2l = _sc_rows_l(g2l, srcl, dstl)

    psum = _t3(s2p, g2p, degp, pb2.reshape(1, HID))
    lsum = _t3(s2l, g2l, degl, lb2.reshape(1, HID))

    out = _t4(psum, lsum, hW1, hb1.reshape(1, HID),
              hW2.reshape(1, HID), hb2.reshape(1, 1))
    return out.reshape((1,))

# --- scband reference (transcript-rebuilt; emitter-appended) ---
"""Pipeline reference for scband-pocket-ligand-model-27865747816916 (READ-ONLY COPY).

The authoritative reference and input builder live on the scoring server;
editing this copy changes nothing except your own understanding.
"""

import jax, jax.numpy as jnp
import numpy as np

P_N = 10000
L_N = 10000
P_IN = 128
L_IN = 128
HID = 64


def gcn_conv(x, edge_index, W, b, num_nodes):
    src = edge_index[0]
    dst = edge_index[1]
    loop = jnp.arange(num_nodes, dtype=edge_index.dtype)
    src = jnp.concatenate([src, loop])
    dst = jnp.concatenate([dst, loop])
    deg = jnp.zeros((num_nodes,), dtype=x.dtype).at[dst].add(1.0)
    dinv = jnp.where(deg > 0, deg ** -0.5, 0.0)
    norm = dinv[src] * dinv[dst]
    h = x @ W
    msg = h[src] * norm[:, None]
    out = jnp.zeros((num_nodes, W.shape[1]), dtype=x.dtype).at[dst].add(msg)
    return out + b


def encoder(x, edge_index, W1, b1, W2, b2, num_nodes):
    h = jax.nn.relu(gcn_conv(x, edge_index, W1, b1, num_nodes))
    h = jax.nn.relu(gcn_conv(h, edge_index, W2, b2, num_nodes))
    # batch is all zeros -> global mean pool == mean over nodes, keepdim
    return jnp.mean(h, axis=0, keepdims=True)


def setup_inputs(seed: int = 0) -> dict:
    key = jax.random.key(seed)
    ks = jax.random.split(key, 16)
    pocket_x = jax.random.normal(ks[0], (P_N, P_IN), dtype=jnp.float32)
    pocket_edge_index = jax.random.randint(ks[1], (2, 320000), 0, P_N, dtype=jnp.int64)
    ligand_x = jax.random.normal(ks[2], (L_N, L_IN), dtype=jnp.float32)
    ligand_edge_index = jax.random.randint(ks[3], (2, 160000), 0, L_N, dtype=jnp.int64)
    def glorot(k, shape):
        fan_in, fan_out = shape[0], shape[1]
        lim = (6.0 / (fan_in + fan_out)) ** 0.5
        return jax.random.uniform(k, shape, dtype=jnp.float32, minval=-lim, maxval=lim)
    pW1 = glorot(ks[4], (P_IN, HID)); pb1 = jnp.zeros((HID,), jnp.float32)
    pW2 = glorot(ks[5], (HID, HID)); pb2 = jnp.zeros((HID,), jnp.float32)
    lW1 = glorot(ks[6], (L_IN, HID)); lb1 = jnp.zeros((HID,), jnp.float32)
    lW2 = glorot(ks[7], (HID, HID)); lb2 = jnp.zeros((HID,), jnp.float32)
    hW1 = glorot(ks[8], (2 * HID, HID)); hb1 = jnp.zeros((HID,), jnp.float32)
    hW2 = glorot(ks[9], (HID, 1)); hb2 = jnp.zeros((1,), jnp.float32)
    return {
        'pocket_x': pocket_x, 'pocket_edge_index': pocket_edge_index,
        'ligand_x': ligand_x, 'ligand_edge_index': ligand_edge_index,
        'pW1': pW1, 'pb1': pb1, 'pW2': pW2, 'pb2': pb2,
        'lW1': lW1, 'lb1': lb1, 'lW2': lW2, 'lb2': lb2,
        'hW1': hW1, 'hb1': hb1, 'hW2': hW2, 'hb2': hb2,
    }


def reference(pocket_x, pocket_edge_index, ligand_x, ligand_edge_index,
              pW1, pb1, pW2, pb2, lW1, lb1, lW2, lb2, hW1, hb1, hW2, hb2):
    p_emb = encoder(pocket_x, pocket_edge_index, pW1, pb1, pW2, pb2, P_N)
    l_emb = encoder(ligand_x, ligand_edge_index, lW1, lb1, lW2, lb2, L_N)
    cat = jnp.concatenate([p_emb, l_emb], axis=1)
    h = jax.nn.relu(cat @ hW1 + hb1)
    out = h @ hW2 + hb2
    return out.squeeze(1)

if __name__ == "__main__":
    import jax
    _d = setup_inputs()
    print(jax.jit(kernel)(*tuple(_d.values())))

</pallas_src>

<mosaic_0001>
#map = affine_map<(d0, d1) -> (0, 0)>
#map1 = affine_map<(d0, d1) -> (0, 0, 0)>
module attributes {stable_mosaic.version = 14 : i64} {
  func.func @body(%arg0: i32, %arg1: i32, %arg2: memref<2560x128xi32, #tpu.memory_space<hbm>>, %arg3: memref<2x10240x128xf32, #tpu.memory_space<hbm>>, %arg4: memref<80x128xi32, #tpu.memory_space<vmem>>, %arg5: memref<128x128xf32, #tpu.memory_space<vmem>>, %arg6: memref<10240x128xf32, #tpu.memory_space<vmem_shared>>, %arg7: memref<!tpu.dma_semaphore, #tpu.memory_space<semaphore_mem>>, %arg8: memref<!tpu.dma_semaphore, #tpu.memory_space<semaphore_mem>>, %arg9: memref<!tpu.dma_semaphore, #tpu.memory_space<semaphore_mem>>, %arg10: memref<!tpu.dma_semaphore, #tpu.memory_space<semaphore_mem>>) attributes {dimension_semantics = [#tpu.dimension_semantics<core_parallel>, #tpu.dimension_semantics<subcore_parallel>], iteration_bounds = array<i64: 2, 16>, scalar_prefetch = 0 : i64, scratch_operands = 7 : i64, tpu.core_type = #tpu.core_type<sc_vector_subcore>, window_params = [{transform_indices = #map}, {transform_indices = #map1}]} {
    %mul3A = arith.constant 2 : i32
    %mul3A_0 = arith.muli %arg1, %mul3A : i32
    %add3A = arith.addi %mul3A_0, %arg0 : i32
    %mul3A_1 = arith.constant 640 : i32
    %mul3A_2 = arith.muli %arg1, %mul3A_1 : i32
    %scan3A = arith.constant 0 : i32
    %scan3A_3 = arith.constant 0 : i32
    %scan3A_4 = arith.constant 1024 : i32
    %scan3A_5 = arith.addi %scan3A_3, %scan3A_4 : i32
    %scan3A_6 = arith.constant 1 : i32
    %scan3A_7 = scf.for %scan3A_63 = %scan3A_3 to %scan3A_5 step %scan3A_6 iter_args(%scan3A_64 = %scan3A) -> (i32)  : i32 {
      %jit3A = arith.constant 8 : i32
      %div3A = arith.divsi %scan3A_63, %jit3A : i32
      %sign3A = arith.constant 0 : i32
      %sign3A_65 = arith.cmpi sgt, %scan3A_63, %sign3A : i32
      %sign3A_66 = arith.extui %sign3A_65 : i1 to i32
      %sign3A_67 = arith.constant 0 : i32
      %sign3A_68 = arith.cmpi slt, %scan3A_63, %sign3A_67 : i32
      %sign3A_69 = arith.extui %sign3A_68 : i1 to i32
      %sign3A_70 = arith.subi %sign3A_66, %sign3A_69 : i32
      %sign3A_71 = arith.constant 0 : i32
      %sign3A_72 = arith.cmpi sgt, %jit3A, %sign3A_71 : i32
      %sign3A_73 = arith.extui %sign3A_72 : i1 to i32
      %sign3A_74 = arith.constant 0 : i32
      %sign3A_75 = arith.cmpi slt, %jit3A, %sign3A_74 : i32
      %sign3A_76 = arith.extui %sign3A_75 : i1 to i32
      %sign3A_77 = arith.subi %sign3A_73, %sign3A_76 : i32
      %ne3A = arith.cmpi ne, %sign3A_70, %sign3A_77 : i32
      %rem3A = arith.remsi %scan3A_63, %jit3A : i32
      %ne3A_78 = arith.constant 0 : i32
      %ne3A_79 = arith.cmpi ne, %rem3A, %ne3A_78 : i32
      %and3A = arith.andi %ne3A, %ne3A_79 : i1
      %sub3A = arith.constant 1 : i32
      %sub3A_80 = arith.subi %div3A, %sub3A : i32
      %select_n3A = arith.select %and3A, %sub3A_80, %div3A : i32
      %jit3A_81 = arith.constant 8 : i32
      %eq3A = arith.constant 0 : i32
      %eq3A_82 = arith.cmpi eq, %jit3A_81, %eq3A : i32
      %jit3A_83 = arith.constant 1 : i32
      %select_n3A_84 = arith.select %eq3A_82, %jit3A_83, %jit3A_81 : i32
      %rem3A_85 = arith.remsi %scan3A_63, %select_n3A_84 : i32
      %ne3A_86 = arith.constant 0 : i32
      %ne3A_87 = arith.cmpi ne, %rem3A_85, %ne3A_86 : i32
      %lt3A = arith.constant 0 : i32
      %lt3A_88 = arith.cmpi slt, %rem3A_85, %lt3A : i32
      %lt3A_89 = arith.constant 0 : i32
      %lt3A_90 = arith.cmpi slt, %select_n3A_84, %lt3A_89 : i32
      %ne3A_91 = arith.xori %lt3A_88, %lt3A_90 : i1
      %and3A_92 = arith.andi %ne3A_91, %ne3A_87 : i1
      %add3A_93 = arith.addi %rem3A_85, %select_n3A_84 : i32
      %select_n3A_94 = arith.select %and3A_92, %add3A_93, %rem3A_85 : i32
      %mul3A_95 = arith.constant 16 : i32
      %mul3A_96 = arith.muli %select_n3A_94, %mul3A_95 : i32
      %broadcast_in_dim3A = arith.constant 0.000000e+00 : f32
      %broadcast_in_dim3A_97 = vector.broadcast %broadcast_in_dim3A : f32 to vector<16xf32>
      %swap3A = arith.index_cast %select_n3A : i32 to index
      %swap3A_98 = arith.index_cast %mul3A_96 : i32 to index
      %swap3A_99 = tpu.vector_load %arg5[%swap3A, %swap3A_98] {strides = array<i32>} : memref<128x128xf32, #tpu.memory_space<vmem>>, vector<1x16xf32>,
      %swap3A_100 = vector.shape_cast %swap3A_99 : vector<1x16xf32> to vector<16xf32>
      %swap3A_101 = vector.shape_cast %broadcast_in_dim3A_97 : vector<16xf32> to vector<1x16xf32>
      tpu.vector_store %arg5[%swap3A, %swap3A_98], %swap3A_101 {strides = array<i32>} : memref<128x128xf32, #tpu.memory_space<vmem>>, vector<1x16xf32>,
      %scan3A_102 = arith.constant 0 : i32
      scf.yield %scan3A_102 : i32
    }
    %scan3A_8 = arith.constant 1024 : i32
    %add3A_9 = arith.constant 0 : i32
    %add3A_10 = arith.addi %mul3A_2, %add3A_9 : i32
    "tpu.region"() ({
      %run_scoped3A = tpu.sem_alloc : memref<!tpu.dma_semaphore, #tpu.memory_space<semaphore_mem>>
      %dma_start3A_63 = arith.constant 0 : i32
      %dma_start3A_64 = tpu.memref_slice %arg6[%add3A_10, %dma_start3A_63] : memref<10240x128xf32, #tpu.memory_space<vmem_shared>> -> memref<128x128xf32, #tpu.memory_space<vmem_shared>>
      %dma_start3A_65 = arith.constant 0 : i32
      %dma_start3A_66 = tpu.memref_slice %arg6[%add3A_10, %dma_start3A_65] : memref<10240x128xf32, #tpu.memory_space<vmem_shared>> -> memref<128x128xf32, #tpu.memory_space<vmem_shared>>
      tpu.enqueue_dma source(%arg5 : memref<128x128xf32, #tpu.memory_space<vmem>>) target(%dma_start3A_66 : memref<128x128xf32, #tpu.memory_space<vmem_shared>>) target_semaphore(%run_scoped3A : memref<!tpu.dma_semaphore, #tpu.memory_space<semaphore_mem>>)
      %dma_wait3A = arith.constant 0 : i32
      %dma_wait3A_67 = tpu.memref_slice %arg6[%add3A_10, %dma_wait3A] : memref<10240x128xf32, #tpu.memory_space<vmem_shared>> -> memref<128x128xf32, #tpu.memory_space<vmem_shared>>
      %dma_wait3A_68 = arith.constant 0 : i32
      %dma_wait3A_69 = tpu.memref_slice %arg6[%add3A_10, %dma_wait3A_68] : memref<10240x128xf32, #tpu.memory_space<vmem_shared>> -> memref<128x128xf32, #tpu.memory_space<vmem_shared>>
      tpu.wait_dma2 semaphore(%run_scoped3A : memref<!tpu.dma_semaphore, #tpu.memory_space<semaphore_mem>>) src(%arg5 : memref<128x128xf32, #tpu.memory_space<vmem>>) dst(%dma_wait3A_69 : memref<128x128xf32, #tpu.memory_space<vmem_shared>>)
      tpu.yield
    }) : () -> ()
    %add3A_11 = arith.constant 128 : i32
    %add3A_12 = arith.addi %mul3A_2, %add3A_11 : i32
    "tpu.region"() ({
      %run_scoped3A = tpu.sem_alloc : memref<!tpu.dma_semaphore, #tpu.memory_space<semaphore_mem>>
      %dma_start3A_63 = arith.constant 0 : i32
      %dma_start3A_64 = tpu.memref_slice %arg6[%add3A_12, %dma_start3A_63] : memref<10240x128xf32, #tpu.memory_space<vmem_shared>> -> memref<128x128xf32, #tpu.memory_space<vmem_shared>>
      %dma_start3A_65 = arith.constant 0 : i32
      %dma_start3A_66 = tpu.memref_slice %arg6[%add3A_12, %dma_start3A_65] : memref<10240x128xf32, #tpu.memory_space<vmem_shared>> -> memref<128x128xf32, #tpu.memory_space<vmem_shared>>
      tpu.enqueue_dma source(%arg5 : memref<128x128xf32, #tpu.memory_space<vmem>>) target(%dma_start3A_66 : memref<128x128xf32, #tpu.memory_space<vmem_shared>>) target_semaphore(%run_scoped3A : memref<!tpu.dma_semaphore, #tpu.memory_space<semaphore_mem>>)
      %dma_wait3A = arith.constant 0 : i32
      %dma_wait3A_67 = tpu.memref_slice %arg6[%add3A_12, %dma_wait3A] : memref<10240x128xf32, #tpu.memory_space<vmem_shared>> -> memref<128x128xf32, #tpu.memory_space<vmem_shared>>
      %dma_wait3A_68 = arith.constant 0 : i32
      %dma_wait3A_69 = tpu.memref_slice %arg6[%add3A_12, %dma_wait3A_68] : memref<10240x128xf32, #tpu.memory_space<vmem_shared>> -> memref<128x128xf32, #tpu.memory_space<vmem_shared>>
      tpu.wait_dma2 semaphore(%run_scoped3A : memref<!tpu.dma_semaphore, #tpu.memory_space<semaphore_mem>>) src(%arg5 : memref<128x128xf32, #tpu.memory_space<vmem>>) dst(%dma_wait3A_69 : memref<128x128xf32, #tpu.memory_space<vmem_shared>>)
      tpu.yield
    }) : () -> ()
    %add3A_13 = arith.constant 256 : i32
    %add3A_14 = arith.addi %mul3A_2, %add3A_13 : i32
    "tpu.region"() ({
      %run_scoped3A = tpu.sem_alloc : memref<!tpu.dma_semaphore, #tpu.memory_space<semaphore_mem>>
      %dma_start3A_63 = arith.constant 0 : i32
      %dma_start3A_64 = tpu.memref_slice %arg6[%add3A_14, %dma_start3A_63] : memref<10240x128xf32, #tpu.memory_space<vmem_shared>> -> memref<128x128xf32, #tpu.memory_space<vmem_shared>>
      %dma_start3A_65 = arith.constant 0 : i32
      %dma_start3A_66 = tpu.memref_slice %arg6[%add3A_14, %dma_start3A_65] : memref<10240x128xf32, #tpu.memory_space<vmem_shared>> -> memref<128x128xf32, #tpu.memory_space<vmem_shared>>
      tpu.enqueue_dma source(%arg5 : memref<128x128xf32, #tpu.memory_space<vmem>>) target(%dma_start3A_66 : memref<128x128xf32, #tpu.memory_space<vmem_shared>>) target_semaphore(%run_scoped3A : memref<!tpu.dma_semaphore, #tpu.memory_space<semaphore_mem>>)
      %dma_wait3A = arith.constant 0 : i32
      %dma_wait3A_67 = tpu.memref_slice %arg6[%add3A_14, %dma_wait3A] : memref<10240x128xf32, #tpu.memory_space<vmem_shared>> -> memref<128x128xf32, #tpu.memory_space<vmem_shared>>
      %dma_wait3A_68 = arith.constant 0 : i32
      %dma_wait3A_69 = tpu.memref_slice %arg6[%add3A_14, %dma_wait3A_68] : memref<10240x128xf32, #tpu.memory_space<vmem_shared>> -> memref<128x128xf32, #tpu.memory_space<vmem_shared>>
      tpu.wait_dma2 semaphore(%run_scoped3A : memref<!tpu.dma_semaphore, #tpu.memory_space<semaphore_mem>>) src(%arg5 : memref<128x128xf32, #tpu.memory_space<vmem>>) dst(%dma_wait3A_69 : memref<128x128xf32, #tpu.memory_space<vmem_shared>>)
      tpu.yield
    }) : () -> ()
    %add3A_15 = arith.constant 384 : i32
    %add3A_16 = arith.addi %mul3A_2, %add3A_15 : i32
    "tpu.region"() ({
      %run_scoped3A = tpu.sem_alloc : memref<!tpu.dma_semaphore, #tpu.memory_space<semaphore_mem>>
      %dma_start3A_63 = arith.constant 0 : i32
      %dma_start3A_64 = tpu.memref_slice %arg6[%add3A_16, %dma_start3A_63] : memref<10240x128xf32, #tpu.memory_space<vmem_shared>> -> memref<128x128xf32, #tpu.memory_space<vmem_shared>>
      %dma_start3A_65 = arith.constant 0 : i32
      %dma_start3A_66 = tpu.memref_slice %arg6[%add3A_16, %dma_start3A_65] : memref<10240x128xf32, #tpu.memory_space<vmem_shared>> -> memref<128x128xf32, #tpu.memory_space<vmem_shared>>
      tpu.enqueue_dma source(%arg5 : memref<128x128xf32, #tpu.memory_space<vmem>>) target(%dma_start3A_66 : memref<128x128xf32, #tpu.memory_space<vmem_shared>>) target_semaphore(%run_scoped3A : memref<!tpu.dma_semaphore, #tpu.memory_space<semaphore_mem>>)
      %dma_wait3A = arith.constant 0 : i32
      %dma_wait3A_67 = tpu.memref_slice %arg6[%add3A_16, %dma_wait3A] : memref<10240x128xf32, #tpu.memory_space<vmem_shared>> -> memref<128x128xf32, #tpu.memory_space<vmem_shared>>
      %dma_wait3A_68 = arith.constant 0 : i32
      %dma_wait3A_69 = tpu.memref_slice %arg6[%add3A_16, %dma_wait3A_68] : memref<10240x128xf32, #tpu.memory_space<vmem_shared>> -> memref<128x128xf32, #tpu.memory_space<vmem_shared>>
      tpu.wait_dma2 semaphore(%run_scoped3A : memref<!tpu.dma_semaphore, #tpu.memory_space<semaphore_mem>>) src(%arg5 : memref<128x128xf32, #tpu.memory_space<vmem>>) dst(%dma_wait3A_69 : memref<128x128xf32, #tpu.memory_space<vmem_shared>>)
      tpu.yield
    }) : () -> ()
    %add3A_17 = arith.constant 512 : i32
    %add3A_18 = arith.addi %mul3A_2, %add3A_17 : i32
    "tpu.region"() ({
      %run_scoped3A = tpu.sem_alloc : memref<!tpu.dma_semaphore, #tpu.memory_space<semaphore_mem>>
      %dma_start3A_63 = arith.constant 0 : i32
      %dma_start3A_64 = tpu.memref_slice %arg6[%add3A_18, %dma_start3A_63] : memref<10240x128xf32, #tpu.memory_space<vmem_shared>> -> memref<128x128xf32, #tpu.memory_space<vmem_shared>>
      %dma_start3A_65 = arith.constant 0 : i32
      %dma_start3A_66 = tpu.memref_slice %arg6[%add3A_18, %dma_start3A_65] : memref<10240x128xf32, #tpu.memory_space<vmem_shared>> -> memref<128x128xf32, #tpu.memory_space<vmem_shared>>
      tpu.enqueue_dma source(%arg5 : memref<128x128xf32, #tpu.memory_space<vmem>>) target(%dma_start3A_66 : memref<128x128xf32, #tpu.memory_space<vmem_shared>>) target_semaphore(%run_scoped3A : memref<!tpu.dma_semaphore, #tpu.memory_space<semaphore_mem>>)
      %dma_wait3A = arith.constant 0 : i32
      %dma_wait3A_67 = tpu.memref_slice %arg6[%add3A_18, %dma_wait3A] : memref<10240x128xf32, #tpu.memory_space<vmem_shared>> -> memref<128x128xf32, #tpu.memory_space<vmem_shared>>
      %dma_wait3A_68 = arith.constant 0 : i32
      %dma_wait3A_69 = tpu.memref_slice %arg6[%add3A_18, %dma_wait3A_68] : memref<10240x128xf32, #tpu.memory_space<vmem_shared>> -> memref<128x128xf32, #tpu.memory_space<vmem_shared>>
      tpu.wait_dma2 semaphore(%run_scoped3A : memref<!tpu.dma_semaphore, #tpu.memory_space<semaphore_mem>>) src(%arg5 : memref<128x128xf32, #tpu.memory_space<vmem>>) dst(%dma_wait3A_69 : memref<128x128xf32, #tpu.memory_space<vmem_shared>>)
      tpu.yield
    }) : () -> ()
    %scan3A_19 = arith.constant 0 : i32
    %scan3A_20 = arith.constant 0 : i32
    %scan3A_21 = arith.constant 1024 : i32
    %scan3A_22 = arith.addi %scan3A_20, %scan3A_21 : i32
    %scan3A_23 = arith.constant 1 : i32
    %scan3A_24 = scf.for %scan3A_63 = %scan3A_20 to %scan3A_22 step %scan3A_23 iter_args(%scan3A_64 = %scan3A_19) -> (i32)  : i32 {
      %jit3A = arith.constant 8 : i32
      %eq3A = arith.constant 0 : i32
      %eq3A_65 = arith.cmpi eq, %jit3A, %eq3A : i32
      %jit3A_66 = arith.constant 1 : i32
      %select_n3A = arith.select %eq3A_65, %jit3A_66, %jit3A : i32
      %rem3A = arith.remsi %scan3A_63, %select_n3A : i32
      %ne3A = arith.constant 0 : i32
      %ne3A_67 = arith.cmpi ne, %rem3A, %ne3A : i32
      %lt3A = arith.constant 0 : i32
      %lt3A_68 = arith.cmpi slt, %rem3A, %lt3A : i32
      %lt3A_69 = arith.constant 0 : i32
      %lt3A_70 = arith.cmpi slt, %select_n3A, %lt3A_69 : i32
      %ne3A_71 = arith.xori %lt3A_68, %lt3A_70 : i1
      %and3A = arith.andi %ne3A_71, %ne3A_67 : i1
      %add3A_72 = arith.addi %rem3A, %select_n3A : i32
      %select_n3A_73 = arith.select %and3A, %add3A_72, %rem3A : i32
      %mul3A_74 = arith.constant 16 : i32
      %mul3A_75 = arith.muli %select_n3A_73, %mul3A_74 : i32
      %broadcast_in_dim3A = arith.constant 1.000000e+00 : f32
      %broadcast_in_dim3A_76 = vector.broadcast %broadcast_in_dim3A : f32 to vector<16xf32>
      %jit3A_77 = arith.constant 8 : i32
      %div3A = arith.divsi %scan3A_63, %jit3A_77 : i32
      %sign3A = arith.constant 0 : i32
      %sign3A_78 = arith.cmpi sgt, %scan3A_63, %sign3A : i32
      %sign3A_79 = arith.extui %sign3A_78 : i1 to i32
      %sign3A_80 = arith.constant 0 : i32
      %sign3A_81 = arith.cmpi slt, %scan3A_63, %sign3A_80 : i32
      %sign3A_82 = arith.extui %sign3A_81 : i1 to i32
      %sign3A_83 = arith.subi %sign3A_79, %sign3A_82 : i32
      %sign3A_84 = arith.constant 0 : i32
      %sign3A_85 = arith.cmpi sgt, %jit3A_77, %sign3A_84 : i32
      %sign3A_86 = arith.extui %sign3A_85 : i1 to i32
      %sign3A_87 = arith.constant 0 : i32
      %sign3A_88 = arith.cmpi slt, %jit3A_77, %sign3A_87 : i32
      %sign3A_89 = arith.extui %sign3A_88 : i1 to i32
      %sign3A_90 = arith.subi %sign3A_86, %sign3A_89 : i32
      %ne3A_91 = arith.cmpi ne, %sign3A_83, %sign3A_90 : i32
      %rem3A_92 = arith.remsi %scan3A_63, %jit3A_77 : i32
      %ne3A_93 = arith.constant 0 : i32
      %ne3A_94 = arith.cmpi ne, %rem3A_92, %ne3A_93 : i32
      %and3A_95 = arith.andi %ne3A_91, %ne3A_94 : i1
      %sub3A = arith.constant 1 : i32
      %sub3A_96 = arith.subi %div3A, %sub3A : i32
      %select_n3A_97 = arith.select %and3A_95, %sub3A_96, %div3A : i32
      %swap3A = arith.index_cast %select_n3A_97 : i32 to index
      %swap3A_98 = arith.index_cast %mul3A_75 : i32 to index
      %swap3A_99 = tpu.vector_load %arg5[%swap3A, %swap3A_98] {strides = array<i32>} : memref<128x128xf32, #tpu.memory_space<vmem>>, vector<1x16xf32>,
      %swap3A_100 = vector.shape_cast %swap3A_99 : vector<1x16xf32> to vector<16xf32>
      %swap3A_101 = vector.shape_cast %broadcast_in_dim3A_76 : vector<16xf32> to vector<1x16xf32>
      tpu.vector_store %arg5[%swap3A, %swap3A_98], %swap3A_101 {strides = array<i32>} : memref<128x128xf32, #tpu.memory_space<vmem>>, vector<1x16xf32>,
      %scan3A_102 = arith.constant 0 : i32
      scf.yield %scan3A_102 : i32
    }
    %scan3A_25 = arith.constant 1024 : i32
    %barrier3A = arith.constant 0 : index
    tpu.barrier barrier_id(%barrier3A)
    %mul3A_26 = arith.constant 80 : i32
    %mul3A_27 = arith.muli %add3A, %mul3A_26 : i32
    "tpu.region"() ({
      %run_scoped3A = tpu.sem_alloc : memref<!tpu.dma_semaphore, #tpu.memory_space<semaphore_mem>>
      %dma_start3A_63 = arith.constant 0 : i32
      %dma_start3A_64 = tpu.memref_slice %arg2[%mul3A_27, %dma_start3A_63] : memref<2560x128xi32, #tpu.memory_space<hbm>> -> memref<80x128xi32, #tpu.memory_space<hbm>>
      %dma_start3A_65 = arith.constant 0 : i32
      %dma_start3A_66 = tpu.memref_slice %arg2[%mul3A_27, %dma_start3A_65] : memref<2560x128xi32, #tpu.memory_space<hbm>> -> memref<80x128xi32, #tpu.memory_space<hbm>>
      tpu.enqueue_dma source(%dma_start3A_66 : memref<80x128xi32, #tpu.memory_space<hbm>>) target(%arg4 : memref<80x128xi32, #tpu.memory_space<vmem>>) target_semaphore(%run_scoped3A : memref<!tpu.dma_semaphore, #tpu.memory_space<semaphore_mem>>)
      %dma_wait3A = arith.constant 0 : i32
      %dma_wait3A_67 = tpu.memref_slice %arg2[%mul3A_27, %dma_wait3A] : memref<2560x128xi32, #tpu.memory_space<hbm>> -> memref<80x128xi32, #tpu.memory_space<hbm>>
      %dma_wait3A_68 = arith.constant 0 : i32
      %dma_wait3A_69 = tpu.memref_slice %arg2[%mul3A_27, %dma_wait3A_68] : memref<2560x128xi32, #tpu.memory_space<hbm>> -> memref<80x128xi32, #tpu.memory_space<hbm>>
      tpu.wait_dma2 semaphore(%run_scoped3A : memref<!tpu.dma_semaphore, #tpu.memory_space<semaphore_mem>>) src(%dma_wait3A_69 : memref<80x128xi32, #tpu.memory_space<hbm>>) dst(%arg4 : memref<80x128xi32, #tpu.memory_space<vmem>>)
      tpu.yield
    }) : () -> ()
    %dma_start3A = arith.constant 0 : i32
    %dma_start3A_28 = arith.constant 0 : i32
    %dma_start3A_29 = tpu.memref_slice %arg4[%dma_start3A, %dma_start3A_28] : memref<80x128xi32, #tpu.memory_space<vmem>> -> memref<1x128xi32, #tpu.memory_space<vmem>>
    %dma_start3A_30 = tpu.memref_squeeze %dma_start3A_29 : memref<1x128xi32, #tpu.memory_space<vmem>> -> memref<128xi32, #tpu.memory_space<vmem>>
    %dma_start3A_31 = arith.constant 0 : i32
    %dma_start3A_32 = arith.constant 0 : i32
    %dma_start3A_33 = tpu.memref_slice %arg6[%dma_start3A_31, %dma_start3A_32] : memref<10240x128xf32, #tpu.memory_space<vmem_shared>> -> memref<10240x128xf32, #tpu.memory_space<vmem_shared>>
    tpu.enqueue_indirect_dma source(%arg5 : memref<128x128xf32, #tpu.memory_space<vmem>>) target(%dma_start3A_33 : memref<10240x128xf32, #tpu.memory_space<vmem_shared>>) offsets(%dma_start3A_30 : memref<128xi32, #tpu.memory_space<vmem>>) semaphore(%arg7 : memref<!tpu.dma_semaphore, #tpu.memory_space<semaphore_mem>>) {add = true}
    %dma_start3A_34 = arith.constant 1 : i32
    %dma_start3A_35 = arith.constant 0 : i32
    %dma_start3A_36 = tpu.memref_slice %arg4[%dma_start3A_34, %dma_start3A_35] : memref<80x128xi32, #tpu.memory_space<vmem>> -> memref<1x128xi32, #tpu.memory_space<vmem>>
    %dma_start3A_37 = tpu.memref_squeeze %dma_start3A_36 : memref<1x128xi32, #tpu.memory_space<vmem>> -> memref<128xi32, #tpu.memory_space<vmem>>
    %dma_start3A_38 = arith.constant 0 : i32
    %dma_start3A_39 = arith.constant 0 : i32
    %dma_start3A_40 = tpu.memref_slice %arg6[%dma_start3A_38, %dma_start3A_39] : memref<10240x128xf32, #tpu.memory_space<vmem_shared>> -> memref<10240x128xf32, #tpu.memory_space<vmem_shared>>
    tpu.enqueue_indirect_dma source(%arg5 : memref<128x128xf32, #tpu.memory_space<vmem>>) target(%dma_start3A_40 : memref<10240x128xf32, #tpu.memory_space<vmem_shared>>) offsets(%dma_start3A_37 : memref<128xi32, #tpu.memory_space<vmem>>) semaphore(%arg8 : memref<!tpu.dma_semaphore, #tpu.memory_space<semaphore_mem>>) {add = true}
    %dma_start3A_41 = arith.constant 2 : i32
    %dma_start3A_42 = arith.constant 0 : i32
    %dma_start3A_43 = tpu.memref_slice %arg4[%dma_start3A_41, %dma_start3A_42] : memref<80x128xi32, #tpu.memory_space<vmem>> -> memref<1x128xi32, #tpu.memory_space<vmem>>
    %dma_start3A_44 = tpu.memref_squeeze %dma_start3A_43 : memref<1x128xi32, #tpu.memory_space<vmem>> -> memref<128xi32, #tpu.memory_space<vmem>>
    %dma_start3A_45 = arith.constant 0 : i32
    %dma_start3A_46 = arith.constant 0 : i32
    %dma_start3A_47 = tpu.memref_slice %arg6[%dma_start3A_45, %dma_start3A_46] : memref<10240x128xf32, #tpu.memory_space<vmem_shared>> -> memref<10240x128xf32, #tpu.memory_space<vmem_shared>>
    tpu.enqueue_indirect_dma source(%arg5 : memref<128x128xf32, #tpu.memory_space<vmem>>) target(%dma_start3A_47 : memref<10240x128xf32, #tpu.memory_space<vmem_shared>>) offsets(%dma_start3A_44 : memref<128xi32, #tpu.memory_space<vmem>>) semaphore(%arg9 : memref<!tpu.dma_semaphore, #tpu.memory_space<semaphore_mem>>) {add = true}
    %dma_start3A_48 = arith.constant 3 : i32
    %dma_start3A_49 = arith.constant 0 : i32
    %dma_start3A_50 = tpu.memref_slice %arg4[%dma_start3A_48, %dma_start3A_49] : memref<80x128xi32, #tpu.memory_space<vmem>> -> memref<1x128xi32, #tpu.memory_space<vmem>>
    %dma_start3A_51 = tpu.memref_squeeze %dma_start3A_50 : memref<1x128xi32, #tpu.memory_space<vmem>> -> memref<128xi32, #tpu.memory_space<vmem>>
    %dma_start3A_52 = arith.constant 0 : i32
    %dma_start3A_53 = arith.constant 0 : i32
    %dma_start3A_54 = tpu.memref_slice %arg6[%dma_start3A_52, %dma_start3A_53] : memref<10240x128xf32, #tpu.memory_space<vmem_shared>> -> memref<10240x128xf32, #tpu.memory_space<vmem_shared>>
    tpu.enqueue_indirect_dma source(%arg5 : memref<128x128xf32, #tpu.memory_space<vmem>>) target(%dma_start3A_54 : memref<10240x128xf32, #tpu.memory_space<vmem_shared>>) offsets(%dma_start3A_51 : memref<128xi32, #tpu.memory_space<vmem>>) semaphore(%arg10 : memref<!tpu.dma_semaphore, #tpu.memory_space<semaphore_mem>>) {add = true}
    %scan3A_55 = arith.constant 0 : i32
    %scan3A_56 = arith.constant 0 : i32
    %scan3A_57 = arith.constant 20 : i32
    %scan3A_58 = arith.addi %scan3A_56, %scan3A_57 : i32
    %scan3A_59 = arith.constant 1 : i32
    %scan3A_60 = scf.for %scan3A_63 = %scan3A_56 to %scan3A_58 step %scan3A_59 iter_args(%scan3A_64 = %scan3A_55) -> (i32)  : i32 {
      %mul3A_65 = arith.constant 4 : i32
      %mul3A_66 = arith.muli %mul3A_65, %scan3A_63 : i32
      %add3A_67 = arith.constant 0 : i32
      %add3A_68 = arith.addi %mul3A_66, %add3A_67 : i32
      %dma_wait3A = arith.constant 0 : i32
      %dma_wait3A_69 = tpu.memref_slice %arg4[%add3A_68, %dma_wait3A] : memref<80x128xi32, #tpu.memory_space<vmem>> -> memref<1x128xi32, #tpu.memory_space<vmem>>
      %dma_wait3A_70 = tpu.memref_squeeze %dma_wait3A_69 : memref<1x128xi32, #tpu.memory_space<vmem>> -> memref<128xi32, #tpu.memory_space<vmem>>
      %dma_wait3A_71 = arith.constant 0 : i32
      %dma_wait3A_72 = arith.constant 0 : i32
      %dma_wait3A_73 = tpu.memref_slice %arg6[%dma_wait3A_71, %dma_wait3A_72] : memref<10240x128xf32, #tpu.memory_space<vmem_shared>> -> memref<10240x128xf32, #tpu.memory_space<vmem_shared>>
      tpu.wait_indirect_dma semaphore(%arg7 : memref<!tpu.dma_semaphore, #tpu.memory_space<semaphore_mem>>) src(%arg5 : memref<128x128xf32, #tpu.memory_space<vmem>>) dst(%dma_wait3A_73 : memref<10240x128xf32, #tpu.memory_space<vmem_shared>>)
      %lt3A = arith.constant 19 : i32
      %lt3A_74 = arith.cmpi slt, %scan3A_63, %lt3A : i32
      %convert_element_type3A = arith.extui %lt3A_74 : i1 to i32
      %cond3A = arith.constant 0 : i32
      %cond3A_75 = arith.cmpi ne, %convert_element_type3A, %cond3A : i32
      scf.if %cond3A_75 {
        %add3A_122 = arith.constant 4 : i32
        %add3A_123 = arith.addi %add3A_68, %add3A_122 : i32
        %dma_start3A_124 = arith.constant 0 : i32
        %dma_start3A_125 = tpu.memref_slice %arg4[%add3A_123, %dma_start3A_124] : memref<80x128xi32, #tpu.memory_space<vmem>> -> memref<1x128xi32, #tpu.memory_space<vmem>>
        %dma_start3A_126 = tpu.memref_squeeze %dma_start3A_125 : memref<1x128xi32, #tpu.memory_space<vmem>> -> memref<128xi32, #tpu.memory_space<vmem>>
        %dma_start3A_127 = arith.constant 0 : i32
        %dma_start3A_128 = arith.constant 0 : i32
        %dma_start3A_129 = tpu.memref_slice %arg6[%dma_start3A_127, %dma_start3A_128] : memref<10240x128xf32, #tpu.memory_space<vmem_shared>> -> memref<10240x128xf32, #tpu.memory_space<vmem_shared>>
        tpu.enqueue_indirect_dma source(%arg5 : memref<128x128xf32, #tpu.memory_space<vmem>>) target(%dma_start3A_129 : memref<10240x128xf32, #tpu.memory_space<vmem_shared>>) offsets(%dma_start3A_126 : memref<128xi32, #tpu.memory_space<vmem>>) semaphore(%arg7 : memref<!tpu.dma_semaphore, #tpu.memory_space<semaphore_mem>>) {add = true}
      } else {
      }
      %mul3A_76 = arith.constant 4 : i32
      %mul3A_77 = arith.muli %mul3A_76, %scan3A_63 : i32
      %add3A_78 = arith.constant 1 : i32
      %add3A_79 = arith.addi %mul3A_77, %add3A_78 : i32
      %dma_wait3A_80 = arith.constant 0 : i32
      %dma_wait3A_81 = tpu.memref_slice %arg4[%add3A_79, %dma_wait3A_80] : memref<80x128xi32, #tpu.memory_space<vmem>> -> memref<1x128xi32, #tpu.memory_space<vmem>>
      %dma_wait3A_82 = tpu.memref_squeeze %dma_wait3A_81 : memref<1x128xi32, #tpu.memory_space<vmem>> -> memref<128xi32, #tpu.memory_space<vmem>>
      %dma_wait3A_83 = arith.constant 0 : i32
      %dma_wait3A_84 = arith.constant 0 : i32
      %dma_wait3A_85 = tpu.memref_slice %arg6[%dma_wait3A_83, %dma_wait3A_84] : memref<10240x128xf32, #tpu.memory_space<vmem_shared>> -> memref<10240x128xf32, #tpu.memory_space<vmem_shared>>
      tpu.wait_indirect_dma semaphore(%arg8 : memref<!tpu.dma_semaphore, #tpu.memory_space<semaphore_mem>>) src(%arg5 : memref<128x128xf32, #tpu.memory_space<vmem>>) dst(%dma_wait3A_85 : memref<10240x128xf32, #tpu.memory_space<vmem_shared>>)
      %lt3A_86 = arith.constant 19 : i32
      %lt3A_87 = arith.cmpi slt, %scan3A_63, %lt3A_86 : i32
      %convert_element_type3A_88 = arith.extui %lt3A_87 : i1 to i32
      %cond3A_89 = arith.constant 0 : i32
      %cond3A_90 = arith.cmpi ne, %convert_element_type3A_88, %cond3A_89 : i32
      scf.if %cond3A_90 {
        %add3A_122 = arith.constant 4 : i32
        %add3A_123 = arith.addi %add3A_79, %add3A_122 : i32
        %dma_start3A_124 = arith.constant 0 : i32
        %dma_start3A_125 = tpu.memref_slice %arg4[%add3A_123, %dma_start3A_124] : memref<80x128xi32, #tpu.memory_space<vmem>> -> memref<1x128xi32, #tpu.memory_space<vmem>>
        %dma_start3A_126 = tpu.memref_squeeze %dma_start3A_125 : memref<1x128xi32, #tpu.memory_space<vmem>> -> memref<128xi32, #tpu.memory_space<vmem>>
        %dma_start3A_127 = arith.constant 0 : i32
        %dma_start3A_128 = arith.constant 0 : i32
        %dma_start3A_129 = tpu.memref_slice %arg6[%dma_start3A_127, %dma_start3A_128] : memref<10240x128xf32, #tpu.memory_space<vmem_shared>> -> memref<10240x128xf32, #tpu.memory_space<vmem_shared>>
        tpu.enqueue_indirect_dma source(%arg5 : memref<128x128xf32, #tpu.memory_space<vmem>>) target(%dma_start3A_129 : memref<10240x128xf32, #tpu.memory_space<vmem_shared>>) offsets(%dma_start3A_126 : memref<128xi32, #tpu.memory_space<vmem>>) semaphore(%arg8 : memref<!tpu.dma_semaphore, #tpu.memory_space<semaphore_mem>>) {add = true}
      } else {
      }
      %mul3A_91 = arith.constant 4 : i32
      %mul3A_92 = arith.muli %mul3A_91, %scan3A_63 : i32
      %add3A_93 = arith.constant 2 : i32
      %add3A_94 = arith.addi %mul3A_92, %add3A_93 : i32
      %dma_wait3A_95 = arith.constant 0 : i32
      %dma_wait3A_96 = tpu.memref_slice %arg4[%add3A_94, %dma_wait3A_95] : memref<80x128xi32, #tpu.memory_space<vmem>> -> memref<1x128xi32, #tpu.memory_space<vmem>>
      %dma_wait3A_97 = tpu.memref_squeeze %dma_wait3A_96 : memref<1x128xi32, #tpu.memory_space<vmem>> -> memref<128xi32, #tpu.memory_space<vmem>>
      %dma_wait3A_98 = arith.constant 0 : i32
      %dma_wait3A_99 = arith.constant 0 : i32
      %dma_wait3A_100 = tpu.memref_slice %arg6[%dma_wait3A_98, %dma_wait3A_99] : memref<10240x128xf32, #tpu.memory_space<vmem_shared>> -> memref<10240x128xf32, #tpu.memory_space<vmem_shared>>
      tpu.wait_indirect_dma semaphore(%arg9 : memref<!tpu.dma_semaphore, #tpu.memory_space<semaphore_mem>>) src(%arg5 : memref<128x128xf32, #tpu.memory_space<vmem>>) dst(%dma_wait3A_100 : memref<10240x128xf32, #tpu.memory_space<vmem_shared>>)
      %lt3A_101 = arith.constant 19 : i32
      %lt3A_102 = arith.cmpi slt, %scan3A_63, %lt3A_101 : i32
      %convert_element_type3A_103 = arith.extui %lt3A_102 : i1 to i32
      %cond3A_104 = arith.constant 0 : i32
      %cond3A_105 = arith.cmpi ne, %convert_element_type3A_103, %cond3A_104 : i32
      scf.if %cond3A_105 {
        %add3A_122 = arith.constant 4 : i32
        %add3A_123 = arith.addi %add3A_94, %add3A_122 : i32
        %dma_start3A_124 = arith.constant 0 : i32
        %dma_start3A_125 = tpu.memref_slice %arg4[%add3A_123, %dma_start3A_124] : memref<80x128xi32, #tpu.memory_space<vmem>> -> memref<1x128xi32, #tpu.memory_space<vmem>>
        %dma_start3A_126 = tpu.memref_squeeze %dma_start3A_125 : memref<1x128xi32, #tpu.memory_space<vmem>> -> memref<128xi32, #tpu.memory_space<vmem>>
        %dma_start3A_127 = arith.constant 0 : i32
        %dma_start3A_128 = arith.constant 0 : i32
        %dma_start3A_129 = tpu.memref_slice %arg6[%dma_start3A_127, %dma_start3A_128] : memref<10240x128xf32, #tpu.memory_space<vmem_shared>> -> memref<10240x128xf32, #tpu.memory_space<vmem_shared>>
        tpu.enqueue_indirect_dma source(%arg5 : memref<128x128xf32, #tpu.memory_space<vmem>>) target(%dma_start3A_129 : memref<10240x128xf32, #tpu.memory_space<vmem_shared>>) offsets(%dma_start3A_126 : memref<128xi32, #tpu.memory_space<vmem>>) semaphore(%arg9 : memref<!tpu.dma_semaphore, #tpu.memory_space<semaphore_mem>>) {add = true}
      } else {
      }
      %mul3A_106 = arith.constant 4 : i32
      %mul3A_107 = arith.muli %mul3A_106, %scan3A_63 : i32
      %add3A_108 = arith.constant 3 : i32
      %add3A_109 = arith.addi %mul3A_107, %add3A_108 : i32
      %dma_wait3A_110 = arith.constant 0 : i32
      %dma_wait3A_111 = tpu.memref_slice %arg4[%add3A_109, %dma_wait3A_110] : memref<80x128xi32, #tpu.memory_space<vmem>> -> memref<1x128xi32, #tpu.memory_space<vmem>>
      %dma_wait3A_112 = tpu.memref_squeeze %dma_wait3A_111 : memref<1x128xi32, #tpu.memory_space<vmem>> -> memref<128xi32, #tpu.memory_space<vmem>>
      %dma_wait3A_113 = arith.constant 0 : i32
      %dma_wait3A_114 = arith.constant 0 : i32
      %dma_wait3A_115 = tpu.memref_slice %arg6[%dma_wait3A_113, %dma_wait3A_114] : memref<10240x128xf32, #tpu.memory_space<vmem_shared>> -> memref<10240x128xf32, #tpu.memory_space<vmem_shared>>
      tpu.wait_indirect_dma semaphore(%arg10 : memref<!tpu.dma_semaphore, #tpu.memory_space<semaphore_mem>>) src(%arg5 : memref<128x128xf32, #tpu.memory_space<vmem>>) dst(%dma_wait3A_115 : memref<10240x128xf32, #tpu.memory_space<vmem_shared>>)
      %lt3A_116 = arith.constant 19 : i32
      %lt3A_117 = arith.cmpi slt, %scan3A_63, %lt3A_116 : i32
      %convert_element_type3A_118 = arith.extui %lt3A_117 : i1 to i32
      %cond3A_119 = arith.constant 0 : i32
      %cond3A_120 = arith.cmpi ne, %convert_element_type3A_118, %cond3A_119 : i32
      scf.if %cond3A_120 {
        %add3A_122 = arith.constant 4 : i32
        %add3A_123 = arith.addi %add3A_109, %add3A_122 : i32
        %dma_start3A_124 = arith.constant 0 : i32
        %dma_start3A_125 = tpu.memref_slice %arg4[%add3A_123, %dma_start3A_124] : memref<80x128xi32, #tpu.memory_space<vmem>> -> memref<1x128xi32, #tpu.memory_space<vmem>>
        %dma_start3A_126 = tpu.memref_squeeze %dma_start3A_125 : memref<1x128xi32, #tpu.memory_space<vmem>> -> memref<128xi32, #tpu.memory_space<vmem>>
        %dma_start3A_127 = arith.constant 0 : i32
        %dma_start3A_128 = arith.constant 0 : i32
        %dma_start3A_129 = tpu.memref_slice %arg6[%dma_start3A_127, %dma_start3A_128] : memref<10240x128xf32, #tpu.memory_space<vmem_shared>> -> memref<10240x128xf32, #tpu.memory_space<vmem_shared>>
        tpu.enqueue_indirect_dma source(%arg5 : memref<128x128xf32, #tpu.memory_space<vmem>>) target(%dma_start3A_129 : memref<10240x128xf32, #tpu.memory_space<vmem_shared>>) offsets(%dma_start3A_126 : memref<128xi32, #tpu.memory_space<vmem>>) semaphore(%arg10 : memref<!tpu.dma_semaphore, #tpu.memory_space<semaphore_mem>>) {add = true}
      } else {
      }
      %scan3A_121 = arith.constant 0 : i32
      scf.yield %scan3A_121 : i32
    }
    %scan3A_61 = arith.constant 20 : i32
    %barrier3A_62 = arith.constant 0 : index
    tpu.barrier barrier_id(%barrier3A_62)
    "tpu.region"() ({
      %run_scoped3A = tpu.sem_alloc : memref<!tpu.dma_semaphore, #tpu.memory_space<semaphore_mem>>
      %dma_start3A_63 = arith.constant 0 : i32
      %dma_start3A_64 = tpu.memref_slice %arg3[%arg0, %mul3A_2, %dma_start3A_63] : memref<2x10240x128xf32, #tpu.memory_space<hbm>> -> memref<1x640x128xf32, #tpu.memory_space<hbm>>
      %dma_start3A_65 = tpu.memref_squeeze %dma_start3A_64 : memref<1x640x128xf32, #tpu.memory_space<hbm>> -> memref<640x128xf32, #tpu.memory_space<hbm>>
      %dma_start3A_66 = arith.constant 0 : i32
      %dma_start3A_67 = tpu.memref_slice %arg6[%mul3A_2, %dma_start3A_66] : memref<10240x128xf32, #tpu.memory_space<vmem_shared>> -> memref<640x128xf32, #tpu.memory_space<vmem_shared>>
      tpu.enqueue_dma source(%dma_start3A_67 : memref<640x128xf32, #tpu.memory_space<vmem_shared>>) target(%dma_start3A_65 : memref<640x128xf32, #tpu.memory_space<hbm>>) target_semaphore(%run_scoped3A : memref<!tpu.dma_semaphore, #tpu.memory_space<semaphore_mem>>)
      %dma_wait3A = arith.constant 0 : i32
      %dma_wait3A_68 = tpu.memref_slice %arg3[%arg0, %mul3A_2, %dma_wait3A] : memref<2x10240x128xf32, #tpu.memory_space<hbm>> -> memref<1x640x128xf32, #tpu.memory_space<hbm>>
      %dma_wait3A_69 = tpu.memref_squeeze %dma_wait3A_68 : memref<1x640x128xf32, #tpu.memory_space<hbm>> -> memref<640x128xf32, #tpu.memory_space<hbm>>
      %dma_wait3A_70 = arith.constant 0 : i32
      %dma_wait3A_71 = tpu.memref_slice %arg6[%mul3A_2, %dma_wait3A_70] : memref<10240x128xf32, #tpu.memory_space<vmem_shared>> -> memref<640x128xf32, #tpu.memory_space<vmem_shared>>
      tpu.wait_dma2 semaphore(%run_scoped3A : memref<!tpu.dma_semaphore, #tpu.memory_space<semaphore_mem>>) src(%dma_wait3A_71 : memref<640x128xf32, #tpu.memory_space<vmem_shared>>) dst(%dma_wait3A_69 : memref<640x128xf32, #tpu.memory_space<hbm>>)
      tpu.yield
    }) : () -> ()
    return
  }
}

</mosaic_0001>

<sc_bundles>
// kernel: _sc_deg_p.3.cloned.1.call-start
scs
__scs_entry_jumppad:
0x0: {  	(pc) =	sbr.rel $0x88, $3  }
0x1: {  	(tag) =	ssettag $0x0;
	lr =	simm.s32 $0x1  }
0x2: {  	[smem:$0x3FA0] =	sst lr;
	_ =	strace $0xD0000000  }
0x3: {  	_ = 	snop  }
0x4: {  	_ = 	snop  }
0x5: {  	_ = 	snop  }
0x6: {  	_ = 	snop  }
0x7: {  	_ = 	snop  }
__scs_overlays_trampoline_lowered:
0x8: {  	[smem:$0x3FAF] =	sst s0  }
0x9: {  	[smem:$0x3FB0] =	sst s1  }
0xa: {  	[smem:$0x3FB1] =	sst s2  }
0xb: {  	[smem:$0x3FB2] =	sst s3  }
0xc: {  	[smem:$0x3FB3] =	sst s4  }
0xd: {  	[smem:$0x3FB4] =	sst s5  }
0xe: {  	[smem:$0x3FB5] =	sst s6  }
0xf: {  	[smem:$0x3FB6] =	sst s7  }
0x10: {  	[smem:$0x3FB7] =	sst s8  }
0x11: {  	[smem:$0x3FB8] =	sst s9;
	s0 =	simm.s32 @!p0 $0x0  }
0x12: {  	s1 =	sld [smem:$0x3F9E];
	s0 =	simm.s32 @p0 $0x1  }
0x13: {  	[smem:$0x3FB9] =	sst s0;
	s0 =	simm.s32 @!p1 $0x0  }
0x14: {  	s2 =	sld [smem:$0x3F9D];
	s0 =	simm.s32 @p1 $0x1  }
0x15: {  	[smem:$0x3FBA] =	sst s0;
	s0 =	simm.s32 @!p2 $0x0  }
0x16: {  	s3 =	sld [smem:$0x3FDB];
	s0 =	simm.s32 @p2 $0x1  }
0x17: {  	s4 =	simm.s32 $0x1BF5;
	[smem:$0x3FBC] =	sst s0  }
0x18: {  	s0 =	sld [smem:$0x3F9F];
	_ =	swait.ge [sflag:s4], $0x0  }
0x19: {  	s7 =	sld [smem:$0x3FA0]  }
0x1a: {  	s8 =	sadd.s32 $0xFFFFE003, lr  }
0x1b: {  	s9 =	sadd.s32 $0xFFFFFEF7, lr;
	s5 =	simm.s32 $0xFFFFFFFF;
	p2 =	slt.u32 s8, $0xFFFFF086  }
0x1c: {  	p1 =	slt.u32 s9, $0xF7A;
	s5 =	simm.s32 @!p2 $0x0  }
0x1d: {  	s5 =	simm.s32 @p1 $0x1;
	p0 =	seq.s32 s7, s2  }
0x1e: {  	s7 =	smul.u32 @!p0 $0xF7A, s2;
	p2 =	seq.s32 @!p0 s5, $0x0  }
0x1f: {  	s9 =	smul.u32 $0xF7A, s1;
	s8 =	simm.s32 @!p0 $0x1BF5;
	p2 =	por !p2, p0  }
0x20: {  	[sflag:s8] =	ssyncset.s32 @!p0 $0xFFFFF086;
	s6 =	sadd.s32 @!p0 s3, s7;
	s7 =	simm.s32 @!p0 $0x108  }
0x21: {  	s3 =	sadd.s32 s3, s9;
	s6 =	sadd.s32 @!p0 $0x88, s6;
	s7 =	simm.s32 @p2 $0x1082  }
0x22: {  	[simem:s7], [sflag:s8] =	dma.local @!p0 [hbm:s6], $0xF7A  }
0x23: {  	s9 =	sor.u32 $0xD0000000, s2;
	s6 =	simm.s32 $0x108;
	_ =	swait.ge @!p0 [sflag:s8], $0x0  }
0x24: {  	s3 =	sadd.s32 $0x88, s3;
	s6 =	simm.s32 @!p1 $0x1082;
	[sflag:s4] =	ssyncset.s32 $0xFFFFF086  }
0x25: {  	[simem:s6], [sflag:s4] =	dma.local [hbm:s3], $0xF7A  }
0x26: {  	[smem:$0x3FA0] =	sst s1;
	(tag) =	ssettag s2;
	_ =	strace s9  }
0x27: {  	s1 =	sld [smem:$0x3FB0]  }
0x28: {  	s2 =	sld [smem:$0x3FB1]  }
0x29: {  	s4 =	sld [smem:$0x3FB3]  }
0x2a: {  	p0 =	seq.s32 s5, $0x0;
	s5 =	sld [smem:$0x3FB4]  }
0x2b: {  	s6 =	sld [smem:$0x3FB5]  }
0x2c: {  	s7 =	sld [smem:$0x3FB6]  }
0x2d: {  	s3 =	simm.s32 $0x108;
	s8 =	sld [smem:$0x3FB7]  }
0x2e: {  	s3 =	simm.s32 @!p0 $0x1082;
	s9 =	sld [smem:$0x3FB8]  }
0x2f: {  	lr =	sadd.s32 s0, s3;
	s0 =	sld [smem:$0x3FAF]  }
0x30: {  	s3 =	sld [smem:$0x3FB2]  }
0x31: {  	[smem:$0x3FBB] =	sst s10  }
0x32: {  	s10 =	sld [smem:$0x3FB9];
	_ =	sdelay $0x3  }
0x33: {  	p0 =	seq.s32 s10, $0x1;
	s10 =	sld [smem:$0x3FBB];
	_ =	sdelay $0x3  }
0x34: {  	[smem:$0x3FBB] =	sst s10  }
0x35: {  	s10 =	sld [smem:$0x3FBA];
	_ =	sdelay $0x3  }
0x36: {  	p1 =	seq.s32 s10, $0x1;
	s10 =	sld [smem:$0x3FBB];
	_ =	sdelay $0x3  }
0x37: {  	[smem:$0x3FBB] =	sst s10  }
0x38: {  	s10 =	sld [smem:$0x3FBC]  }
0x39: {  	_ = 	snop;
	(pc) =	sbr.ind lr, $3  }
0x3a: {  	_ = 	snop  }
0x3b: {  	_ = 	snop  }
0x3c: {  	p2 =	seq.s32 s10, $0x1;
	s10 =	sld [smem:$0x3FBB]  }
0x3d: {  	_ =	shalt  }
0x3e: {  	_ =	shalt  }
0x3f: {  	_ =	shalt  }
0x40: {  	_ =	shalt  }
0x41: {  	_ =	shalt  }
0x42: {  	_ =	shalt  }
0x43: {  	_ =	shalt  }
0x44: {  	_ =	shalt  }
0x45: {  	_ =	shalt  }
0x46: {  	_ =	shalt  }
0x47: {  	_ =	shalt  }
0x48: {  	_ =	shalt  }
0x49: {  	_ =	shalt  }
0x4a: {  	_ =	shalt  }
0x4b: {  	_ =	shalt  }
0x4c: {  	_ =	shalt  }
0x4d: {  	_ =	shalt  }
0x4e: {  	_ =	shalt  }
0x4f: {  	_ =	shalt  }
0x50: {  	_ =	shalt  }
0x51: {  	_ =	shalt  }
0x52: {  	_ =	shalt  }
0x53: {  	_ =	shalt  }
0x54: {  	_ =	shalt  }
0x55: {  	_ =	shalt  }
0x56: {  	_ =	shalt  }
0x57: {  	_ =	shalt  }
0x58: {  	_ =	shalt  }
0x59: {  	_ =	shalt  }
0x5a: {  	_ =	shalt  }
0x5b: {  	_ =	shalt  }
0x5c: {  	_ =	shalt  }
0x5d: {  	_ =	shalt  }
0x5e: {  	_ =	shalt  }
0x5f: {  	_ =	shalt  }
0x60: {  	_ =	shalt  }
0x61: {  	_ =	shalt  }
0x62: {  	_ =	shalt  }
0x63: {  	_ =	shalt  }
0x64: {  	_ =	shalt  }
0x65: {  	_ =	shalt  }
0x66: {  	_ =	shalt  }
0x67: {  	_ =	shalt  }
0x68: {  	_ =	shalt  }
0x69: {  	_ =	shalt  }
0x6a: {  	_ =	shalt  }
0x6b: {  	_ =	shalt  }
0x6c: {  	_ =	shalt  }
0x6d: {  	_ =	shalt  }
0x6e: {  	_ =	shalt  }
0x6f: {  	_ =	shalt  }
0x70: {  	_ =	shalt  }
0x71: {  	_ =	shalt  }
0x72: {  	_ =	shalt  }
0x73: {  	_ =	shalt  }
0x74: {  	_ =	shalt  }
0x75: {  	_ =	shalt  }
0x76: {  	_ =	shalt  }
0x77: {  	_ =	shalt  }
0x78: {  	_ =	shalt  }
0x79: {  	_ =	shalt  }
0x7a: {  	_ =	shalt  }
0x7b: {  	_ =	shalt  }
0x7c: {  	_ =	shalt  }
0x7d: {  	_ =	shalt  }
0x7e: {  	_ =	shalt  }
0x7f: {  	_ =	shalt  }
0x80: {  	_ =	shalt  }
0x81: {  	_ =	shalt  }
0x82: {  	_ =	shalt  }
0x83: {  	_ =	shalt  }
0x84: {  	_ =	shalt  }
0x85: {  	_ =	shalt  }
0x86: {  	_ =	shalt  }
0x87: {  	_ =	shalt  }
.Lfunc_end0:
.L_simem_size_0:
called_computation_lowered:
.L_overlay_start_0:
0x88: {  	s2 =	sld [smem:$0x3FD9]  }
0x89: {  	s3 =	sld [smem:$0x3FFE];
	_ =	sdelay $0x1  }
0x8a: {  	s1 =	srdreg.scid  }
0x8b: {  	s0 =	sand.u32 $0x1, s1  }
0x8c: {  	s18 =	sshll.u32 s0, $0xA;
	s2 =	sadd.s32 s3, s2  }
0x8d: {  	s2 =	sadd.s32 s2, s18  }
0x8e: {  	[smem:$0x3FC7] =	sst s2  }
0x8f: {  	_ = 	snop  }
0x90: {  	s2 =	sld [smem:$0x3FC9]  }
0x91: {  	s19 =	sld [smem:$0x3FD0];
	(tm) =	ssettm $0x1  }
0x92: {  	s4 =	sld [smem:$0x3FFB];
	_ =	sdelay $0x3  }
0x93: {  	_ =	strace s4  }
0x94: {  	s4 =	sld [smem:$0x3FFC];
	_ =	sdelay $0x3  }
0x95: {  	_ =	strace s4  }
0x96: {  	s4 =	sld [smem:$0x3FFD];
	_ =	sdelay $0x3  }
0x97: {  	_ =	strace s4  }
0x98: {  	_ =	strace $0x8FFFFFFF  }
0x99: {  	s20 =	sld [smem:$0x3FDB];
	_ =	sdelay $0x1  }
0x9a: {  	s5 =	simm.s32 $_scs_section_size  }
0x9b: {  	s6 =	simm.s32 $_size__tile_overlayer_lowered;
	s7 =	simm.s32 $_tile_overlayer_lowered  }
0x9c: {  	s23 =	simm.s32 $0x1BFF;
	s22 =	sshll.u32 s7, $0x1;
	s4 =	sadd.s32 s5, s20  }
0x9d: {  	s8 =	simm.s32 $0x0;
	s21 =	sshll.u32 s6, $0x1;
	s6 =	sadd.s32 s22, s4  }
0x9e: {  	[timem:s8], [sflag:s23] =	dma.local [hbm:s6], s21  }
0x9f: {  	_ =	swait.ge [sflag:s23], s21  }
0xa0: {  	s5 =	ssub.s32 $0x0, s21;
	[sflag:s23] =	ssyncset.done $0x0  }
0xa1: {  	[sflag:s23] =	ssyncadd.s32 s5;
	_ =	sdelay $0x1  }
0xa2: {  	s24 =	simm.s32 $0x1B8B  }
0xa3: {  	_ =	swait.ge [sflag:s24], $0x1  }
0xa4: {  	[sflag:s24] =	ssyncset.done $0x0  }
0xa5: {  	s25 =	simm.s32 $0x1B8E;
	[sflag:s24] =	ssyncadd.s32 $0xFFFFFFFF  }
0xa6: {  	s26 =	simm.s32 $execute0_lowered;
	[smem:$0x3FD2] =	sst s25  }
0xa7: {  	s5 =	sshll.u32 s26, $0x1;
	_ =	strace $0x80000046;
	[dreg:$0x1] =	wrdreg $0xFFFFFFFF  }
0xa8: {  	s28 =	simm.s32 $_size_execute0_lowered;
	s4 =	sadd.s32 s4, s5;
	[dreg:$0x0] =	wrdreg $0x0  }
0xa9: {  	s5 =	sshll.u32 s28, $0x1;
	[dreg:$0x2] =	wrdreg s4  }
0xaa: {  	[dreg:$0x3] =	wrdreg s5  }
0xab: {  	[dreg:$0x4] =	wrdreg $0xC0  }
0xac: {  	_ =	task [dreg:s8], $0x5FFFF  }
0xad: {  	[dreg:$0x1] =	wrdreg $0xFFFFFFFF  }
0xae: {  	[dreg:$0x0] =	wrdreg $0x60  }
0xaf: {  	[dreg:$0x2] =	wrdreg s2  }
0xb0: {  	[dreg:$0x3] =	wrdreg s19  }
0xb1: {  	[dreg:$0x4] =	wrdreg $0x68000  }
0xb2: {  	[dreg:$0x5] =	wrdreg $0x9  }
0xb3: {  	_ =	task.clear_ibuf [dreg:s8], $0x6FFFF;
	_ =	strace $0x90000046  }
0xb4: {  	s29 =	simm.s32 $0x9;
	_ =	strace $0x80000048  }
0xb5: {  	_ =	swait.ge [sflag:s29], $0x1  }
0xb6: {  	[sflag:s29] =	ssyncadd.s32 $0xFFFFFFFF  }
0xb7: {  	_ =	strace $0x90000048  }
0xb8: {  	_ =	sfence  }
0xb9: {  	s30 =	sld [smem:$0x0];
	_ =	sdelay $0x2  }
0xba: {  	s31 =	sshll.u32 s1, $0xD;
	s1 =	sshrl.u32 s1, $0x2  }
0xbb: {  	s3 =	sand.u32 $0x4000, s31;
	s1 =	sadd.s32 s1, s30  }
0xbc: {  	s0 =	sor.u32 s3, s0;
	s1 =	sshll.u32 s1, $0x11  }
0xbd: {  	s0 =	sor.u32 s1, s0  }
0xbe: {  	s0 =	sadd.s32 $0x8F2B, s0  }
0xbf: {  	[sflag:s0] =	ssyncadd.remote.s32 $0x1  }
0xc0: {  	_ =	sfence.sel $0xFFFF  }
0xc1: {  	[dreg:$0x0] =	wrdreg $0xFFFFFFFF;
	(pc) =	sbr.abs _section_cstart, $3  }
0xc2: {  	[dreg:$0x1] =	wrdreg $0xFFFFFFFF  }
0xc3: {  	_ =	task.clear_ibuf [dreg:s8], $0x2FFFF;
	_ =	strace $0x9FFFFFFF  }
0xc4: {  	(tm) =	ssettm $0x7FFFFFFF  }
0xc5: {  	_ =	shalt  }
tec
execute0_lowered:
.L_overlay_start_1:
0x0: {  	(tag) =	ssettag $0x1  }
0x1: {  	s9 =	rddreg [dreg:$0x0]  }
0x2: {  	s10 =	rddreg [dreg:$0x1]  }
0x3: {  	s2 =	rddreg [dreg:$0x2]  }
0x4: {  	s0 =	rddreg [dreg:$0x3]  }
0x5: {  	s4 =	srdreg.scid;
	s3 =	simm.s32 $0x0;
	s1 =	stileid.u32  }
0x6: {  	s15 =	simm.s32 $0x100;
	s16 =	simm.s32 $0x180;
	s17 =	simm.s32 $0x1  }
0x7: {  	s18 =	simm.s32 $0x2;
	s19 =	simm.s32 $0x3;
	s20 =	simm.s32 $0x4  }
0x8: {  	s21 =	simm.s32 $0x0;
	s4 =	sand.u32 $0x1, s4;
	s6 =	smul.u32 $0x50000, s1  }
0x9: {  	[smem:$0x7FF] =	sst s3;
	s8 =	sshll.u32 s1, $0x1;
	s12 =	smul.u32 $0x14000, s1  }
0xa: {  	s5 =	ssub.s32 $0x2, s4;
	_ =	strace $0x80000047;
	s11 =	smul.u32 $0x140000, s4  }
0xb: {  	s8 =	sor.u32 s4, s8;
	s7 =	sshrl.u32 s5, $0x1;
	s6 =	sshrl.u32 s6, $0x2  }
0xc: {  	s14 =	smul.u32 $0x500, s8;
	s4 =	sadd.s32 s6, s2;
	s13 =	ssub.s32 s5, s7  }
0xd: {  	s11 =	sadd.s32 s12, s11;
	s12 =	simm.s32 $0x2800;
	s5 =	sadd.s32 $0x4000, s4  }
0xe: {  	s6 =	sadd.s32 $0x8000, s4;
	s7 =	sadd.s32 $0xC000, s4;
	s8 =	sadd.s32 $0x10000, s4  }
0xf: {  	s9 =	sadd.s32 s9, s14;
	s11 =	sshrl.u32 s11, $0x3;
	s14 =	simm.s32 $0x80  }
0x10: {  	v0 =	vimm.f32 $0.0e+00;
	v1 =	vimm.f32 $1.000000000e+00;
	s10 =	sadd.s32 s10, s11;
	s11 =	smax.u32 s13, $0x1;
	s13 =	simm.s32 $0x5  }
.LBB2_1:
0x11: {  	s22 =	sand.u32 $0xFE00, s3  }
0x12: {  	s23 =	sand.u32 $0x70, s3;
	s24 =	sshrl.u32 s22, $0x2  }
0x13: {  	s22 =	simm.s32 $0x40;
	s24 =	sor.u32 s23, s24;
	s23 =	simm.s32 $0x0  }
.LBB2_2:
0x14: {  	p0 =	sne.s32 s22, $0xFFC0  }
0x15: {  	[tilespmem:s24+$0x2800] =	vst v0;
	s23 =	sadd.s32 $0x10, s23;
	s24 =	smov.u32 s22;
	s22 =	sadd.s32 $0x40, s22  }
.Ltmp0:
0x16: {  	(pc) =	sbr.rel @p0 .LBB2_2-.Ltmp0, $4  }
0x17: {  	_ = 	snop  }
0x18: {  	s24 =	sand.u32 $0xFE00, s24  }
0x19: {  	s25 =	sand.u32 $0x70, s23;
	s24 =	sshrl.u32 s24, $0x2  }
0x1a: {  	s24 =	sor.u32 s25, s24  }
0x1b: {  	[tilespmem:s24+$0x2800] =	vst v0  }
0x1c: {  	[spmem:s4] =	stream.linear.scatter [tilespmem:s12], [sflag:$0x5], $0x4000, $0x38;
	[tilespmem:$0x1A800] =	vst v63  }
0x1d: {  	_ =	swait.ge [sflag:s13], $0x4000  }
0x1e: {  	[sflag:s13] =	ssyncset.done $0x0  }
0x1f: {  	[sflag:s13] =	ssyncadd.s32 $0xFFFFC000  }
0x20: {  	[spmem:s5] =	stream.linear.scatter [tilespmem:s12], [sflag:$0x5], $0x4000, $0x38;
	[tilespmem:$0x1A800] =	vst v63  }
0x21: {  	_ =	swait.ge [sflag:s13], $0x4000  }
0x22: {  	[sflag:s13] =	ssyncset.done $0x0  }
0x23: {  	[sflag:s13] =	ssyncadd.s32 $0xFFFFC000  }
0x24: {  	[spmem:s6] =	stream.linear.scatter [tilespmem:s12], [sflag:$0x5], $0x4000, $0x38;
	[tilespmem:$0x1A800] =	vst v63  }
0x25: {  	_ =	swait.ge [sflag:s13], $0x4000  }
0x26: {  	[sflag:s13] =	ssyncset.done $0x0  }
0x27: {  	[sflag:s13] =	ssyncadd.s32 $0xFFFFC000  }
0x28: {  	[spmem:s7] =	stream.linear.scatter [tilespmem:s12], [sflag:$0x5], $0x4000, $0x38;
	[tilespmem:$0x1A800] =	vst v63  }
0x29: {  	_ =	swait.ge [sflag:s13], $0x4000  }
0x2a: {  	[sflag:s13] =	ssyncset.done $0x0  }
0x2b: {  	s22 =	simm.s32 $0x0;
	[sflag:s13] =	ssyncadd.s32 $0xFFFFC000  }
0x2c: {  	[spmem:s8] =	stream.linear.scatter [tilespmem:s12], [sflag:$0x5], $0x4000, $0x38;
	[tilespmem:$0x1A800] =	vst v63  }
0x2d: {  	s23 =	sand.u32 $0xFE00, s22;
	_ =	swait.ge [sflag:s13], $0x4000  }
0x2e: {  	s31 =	sand.u32 $0x70, s22;
	s25 =	sshrl.u32 s23, $0x2;
	[sflag:s13] =	ssyncset.done $0x0  }
0x2f: {  	s23 =	simm.s32 $0x40;
	s24 =	sor.u32 s31, s25;
	[sflag:s13] =	ssyncadd.s32 $0xFFFFC000  }
.LBB2_4:
0x30: {  	p0 =	sne.s32 s23, $0xFFC0  }
0x31: {  	[tilespmem:s24+$0x2800] =	vst v1;
	s22 =	sadd.s32 $0x10, s22;
	s24 =	smov.u32 s23;
	s23 =	sadd.s32 $0x40, s23  }
.Ltmp1:
0x32: {  	(pc) =	sbr.rel @p0 .LBB2_4-.Ltmp1, $4  }
0x33: {  	_ = 	snop  }
0x34: {  	s24 =	sand.u32 $0xFE00, s24  }
0x35: {  	s25 =	sand.u32 $0x70, s22;
	s24 =	sshrl.u32 s24, $0x2  }
0x36: {  	s24 =	sor.u32 s25, s24  }
0x37: {  	[tilespmem:s24+$0x2800] =	vst v1  }
0x38: {  	[bflag:$0x0] =	sbarrier.arrive $0xFFFF  }
0x39: {  	[tilespmem:s3], [sflag:$0x5] =	stream.linear.gather [hbm4b:s9+s3], $0x2800, $0x38;
	[tilespmem:$0x1A800] =	vst v63  }
0x3a: {  	_ =	swait.ge [sflag:s13], $0x2800  }
0x3b: {  	[sflag:s13] =	ssyncset.done $0x0  }
0x3c: {  	[sflag:s13] =	ssyncadd.s32 $0xFFFFD800  }
0x3d: {  	[spmem:s2] =	stream.indirect.scatter.add.f32 [tilespmem:s12], [sflag:$0x1], $0x80, s3, s14, $0xb8;
	[tilespmem:$0x1A800] =	vst v63  }
0x3e: {  	_ = 	snop  }
0x3f: {  	[spmem:s2] =	stream.indirect.scatter.add.f32 [tilespmem:s12], [sflag:$0x2], $0x80, s14, s14, $0xb8;
	[tilespmem:$0x1A800] =	vst v63  }
0x40: {  	_ = 	snop  }
0x41: {  	[spmem:s2] =	stream.indirect.scatter.add.f32 [tilespmem:s12], [sflag:$0x3], $0x80, s15, s14, $0xb8;
	[tilespmem:$0x1A800] =	vst v63  }
0x42: {  	_ = 	snop  }
0x43: {  	[spmem:s2] =	stream.indirect.scatter.add.f32 [tilespmem:s12], [sflag:$0x4], $0x80, s16, s14, $0xb8;
	[tilespmem:$0x1A800] =	vst v63  }
0x44: {  	_ =	swait.ge [sflag:s17], $0x4000  }
0x45: {  	[sflag:s17] =	ssyncset.done $0x0  }
0x46: {  	s22 =	simm.s32 $0x200;
	[sflag:s17] =	ssyncadd.s32 $0xFFFFC000  }
0x47: {  	[spmem:s2] =	stream.indirect.scatter.add.f32 [tilespmem:s12], [sflag:$0x1], $0x80, s22, s14, $0xb8;
	[tilespmem:$0x1A800] =	vst v63  }
0x48: {  	_ =	swait.ge [sflag:s18], $0x4000  }
0x49: {  	[sflag:s18] =	ssyncset.done $0x0  }
0x4a: {  	s30 =	simm.s32 $0x280;
	[sflag:s18] =	ssyncadd.s32 $0xFFFFC000  }
0x4b: {  	[spmem:s2] =	stream.indirect.scatter.add.f32 [tilespmem:s12], [sflag:$0x2], $0x80, s30, s14, $0xb8;
	[tilespmem:$0x1A800] =	vst v63  }
0x4c: {  	_ =	swait.ge [sflag:s19], $0x4000  }
0x4d: {  	[sflag:s19] =	ssyncset.done $0x0  }
0x4e: {  	s31 =	simm.s32 $0x300;
	[sflag:s19] =	ssyncadd.s32 $0xFFFFC000  }
0x4f: {  	[spmem:s2] =	stream.indirect.scatter.add.f32 [tilespmem:s12], [sflag:$0x3], $0x80, s31, s14, $0xb8;
	[tilespmem:$0x1A800] =	vst v63  }
0x50: {  	_ =	swait.ge [sflag:s20], $0x4000  }
0x51: {  	[sflag:s20] =	ssyncset.done $0x0  }
0x52: {  	s23 =	simm.s32 $0x380;
	s22 =	simm.s32 $0xFFFF7000;
	[sflag:s20] =	ssyncadd.s32 $0xFFFFC000  }
.LBB2_6:
0x53: {  	[spmem:s2] =	stream.indirect.scatter.add.f32 [tilespmem:s12], [sflag:$0x4], $0x80, s23, s14, $0xb8;
	[tilespmem:$0x1A800] =	vst v63  }
0x54: {  	s23 =	smov.u32 s22  }
0x55: {  	p0 =	sne.s32 s22, $0xFFFFF800;
	s22 =	sadd.s32 $0x800, s22;
	_ =	swait.ge [sflag:s17], $0x4000  }
0x56: {  	s23 =	sshra.s32 s23, $0x2;
	[sflag:s17] =	ssyncset.done $0x0  }
0x57: {  	s24 =	sadd.s32 $0x2800, s23;
	[sflag:s17] =	ssyncadd.s32 $0xFFFFC000  }
0x58: {  	[spmem:s2] =	stream.indirect.scatter.add.f32 [tilespmem:s12], [sflag:$0x1], $0x80, s24, s14, $0xb8;
	[tilespmem:$0x1A800] =	vst v63  }
0x59: {  	_ =	swait.ge [sflag:s18], $0x4000  }
0x5a: {  	[sflag:s18] =	ssyncset.done $0x0  }
0x5b: {  	s24 =	sadd.s32 $0x2880, s23;
	[sflag:s18] =	ssyncadd.s32 $0xFFFFC000  }
0x5c: {  	[spmem:s2] =	stream.indirect.scatter.add.f32 [tilespmem:s12], [sflag:$0x2], $0x80, s24, s14, $0xb8;
	[tilespmem:$0x1A800] =	vst v63  }
0x5d: {  	_ =	swait.ge [sflag:s19], $0x4000  }
0x5e: {  	[sflag:s19] =	ssyncset.done $0x0  }
.Ltmp2:
0x5f: {  	s24 =	sadd.s32 $0x2900, s23;
	[sflag:s19] =	ssyncadd.s32 $0xFFFFC000;
	(pc) =	sbr.rel @p0 .LBB2_6-.Ltmp2, $4  }
0x60: {  	[spmem:s2] =	stream.indirect.scatter.add.f32 [tilespmem:s12], [sflag:$0x3], $0x80, s24, s14, $0xb8;
	[tilespmem:$0x1A800] =	vst v63  }
0x61: {  	_ =	swait.ge [sflag:s20], $0x4000  }
0x62: {  	[sflag:s20] =	ssyncset.done $0x0  }
0x63: {  	s23 =	sadd.s32 $0x2980, s23;
	[sflag:s20] =	ssyncadd.s32 $0xFFFFC000  }
0x64: {  	[spmem:s2] =	stream.indirect.scatter.add.f32 [tilespmem:s12], [sflag:$0x4], $0x80, s23, s14, $0xb8;
	[tilespmem:$0x1A800] =	vst v63  }
0x65: {  	_ =	swait.ge [sflag:s17], $0x4000  }
0x66: {  	[sflag:s17] =	ssyncset.done $0x0  }
0x67: {  	[sflag:s17] =	ssyncadd.s32 $0xFFFFC000  }
0x68: {  	_ =	swait.ge [sflag:s18], $0x4000  }
0x69: {  	[sflag:s18] =	ssyncset.done $0x0  }
0x6a: {  	[sflag:s18] =	ssyncadd.s32 $0xFFFFC000  }
0x6b: {  	_ =	swait.ge [sflag:s19], $0x4000  }
0x6c: {  	[sflag:s19] =	ssyncset.done $0x0  }
0x6d: {  	[sflag:s19] =	ssyncadd.s32 $0xFFFFC000  }
0x6e: {  	_ =	swait.ge [sflag:s20], $0x4000  }
0x6f: {  	s22 =	sshll.u32 s1, $0x6;
	s21 =	sadd.s32 $0x1, s21;
	[sflag:s20] =	ssyncset.done $0x0  }
0x70: {  	s31 =	sshrl.u32 s4, $0x3;
	p0 =	sne.s32 s21, s11;
	[sflag:s20] =	ssyncadd.s32 $0xFFFFC000  }
.Ltmp3:
0x71: {  	s22 =	sor.u32 $0x1C05, s22;
	[bflag:$0x0] =	sbarrier.arrive $0xFFFF;
	(pc) =	sbr.rel @p0 .LBB2_1-.Ltmp3, $4  }
0x72: {  	[hbm:s10], [sflag:s22] =	dma.local [spmem:s31], $0x2800  }
0x73: {  	_ =	swait.ge [sflag:s13], $0x2800  }
0x74: {  	[sflag:s13] =	ssyncset.done $0x0  }
0x75: {  	[sflag:s13] =	ssyncadd.s32 $0xFFFFD800  }
0x76: {  	_ =	sfence.sel $0x180000  }
0x77: {  	[bflag:$0x0] =	sbarrier.arrive $0xFFFF  }
0x78: {  	p0 =	sne.s32 s1, $0x0;
	_ =	strace $0x90000047  }
0x79: {  	s0 =	sadd.s32 @!p0 $0x100000, s0;
	[bflag:$0x2] =	sbarrier.arrive $0xFFFF  }
0x7a: {  	[sflag:s0] =	ssyncadd.tile.s32 @!p0 $0x1;
	_ =	shalt  }
.Lfunc_end2:
_tile_overlayer_lowered:
.L_overlay_start_2:
0x7b: {  	(tag) =	ssettag $0x2  }
0x7c: {  	s0 =	rddreg [dreg:$0x0];
	s2 =	stileid.u32  }
0x7d: {  	s1 =	rddreg [dreg:$0x1];
	p0 =	sne.s32 s2, $0x0  }
0x7e: {  	s3 =	rddreg [dreg:$0x2];
	[bflag:$0x3] =	sbarrier.arrive $0xFFFF;
	s2 =	simm.s32 @!p0 $0x1C05  }
0x7f: {  	[timem:s3], [sflag:s2] =	dma.local @!p0 [hbm:s0], s1  }
0x80: {  	s0 =	simm.s32 @!p0 $0x5  }
0x81: {  	_ =	swait.ge @!p0 [sflag:s0], s1  }
0x82: {  	s1 =	ssub.s32 @!p0 $0x0, s1;
	[sflag:s0] =	ssyncset.done @!p0 $0x0  }
0x83: {  	[sflag:s0] =	ssyncadd.s32 @!p0 s1  }
0x84: {  	[bflag:$0x3] =	sbarrier.arrive $0xFFFF  }
0x85: {  	_ =	shalt  }

</sc_bundles>
